<compile_context>
chip_gen: v7x
topology: tpu7x:2x2x1
jax: 0.10.2.dev20260603
libtpu: 0.0.44.dev20260713+nightly
codegen_flags: <defaults>
</compile_context>

<pallas_src>
import functools

import jax
import jax.numpy as jnp
from jax import lax
from jax.experimental import pallas as pl
from jax.experimental.pallas import tpu as pltpu
from jax.experimental.pallas import tpu_sc as plsc

_NC = 2
_NS = 16
_NW = _NC * _NS


def _mv_body(t_ref, w_ref, o_ref):
    o_ref[...] = jnp.sum(t_ref[...] * w_ref[...], axis=0)


def _table_matvec(tT, w_col, v_pad):
    D, V = tT.shape
    CB = 32768
    return pl.pallas_call(
        _mv_body,
        grid=(pl.cdiv(v_pad, CB),),
        in_specs=[
            pl.BlockSpec((D, CB), lambda g: (0, g)),
            pl.BlockSpec((D, 1), lambda g: (0, 0)),
        ],
        out_specs=pl.BlockSpec((CB,), lambda g: (g,)),
        out_shape=jax.ShapeDtypeStruct((v_pad,), jnp.float32),
    )(tT, w_col)


@functools.cache
def _make_sc_bag(B, L, V):
    BW = B // _NW
    mesh = plsc.VectorSubcoreMesh(core_axis_name="c", subcore_axis_name="s")

    @functools.partial(
        pl.kernel,
        out_type=jax.ShapeDtypeStruct((B,), jnp.float32),
        mesh=mesh,
        compiler_params=pltpu.CompilerParams(needs_layout_passes=False),
        scratch_types=[
            pltpu.VMEM((L, BW), jnp.int32),
            pltpu.VMEM((L, BW), jnp.float32),
            pltpu.VMEM((BW,), jnp.int32),
            pltpu.VMEM((16,), jnp.float32),
            pltpu.VMEM((BW,), jnp.float32),
            pltpu.SemaphoreType.DMA((8,)),
            pltpu.SemaphoreType.DMA,
            pltpu.SemaphoreType.DMA,
            pltpu.VMEM_SHARED((V,), jnp.float32),
        ],
    )
    def sc_bag(xT_hbm, lens_hbm, tw_hbm, b16_hbm, out_hbm,
               idx_v, vals_v, lens_v, b_v, out_v, sem, sem_x, sem_lb, tw_sh):
        sid = lax.axis_index("s")
        wid = sid * _NC + lax.axis_index("c")
        base = wid * BW
        cx = pltpu.async_copy(xT_hbm.at[:, pl.ds(base, BW)], idx_v, sem_x)
        cl = pltpu.async_copy(lens_hbm.at[pl.ds(base, BW)], lens_v, sem_lb)
        cb = pltpu.async_copy(b16_hbm, b_v, sem_lb)
        CHUNK = 65536

        @pl.when(sid < _NS - 1)
        def _():
            pltpu.sync_copy(tw_hbm.at[pl.ds(sid * CHUNK, CHUNK)],
                            tw_sh.at[pl.ds(sid * CHUNK, CHUNK)])

        @pl.when(sid == _NS - 1)
        def _():
            rem = V - (_NS - 1) * CHUNK
            pltpu.sync_copy(tw_hbm.at[pl.ds((_NS - 1) * CHUNK, rem)],
                            tw_sh.at[pl.ds((_NS - 1) * CHUNK, rem)])

        cx.wait()
        plsc.subcore_barrier()
        cl.wait()
        cb.wait()
        K = 8
        NG = BW // 16
        lens_gs = [lens_v[pl.ds(g * 16, 16)] for g in range(NG)]

        def prime(c, carry):
            pltpu.async_copy(tw_sh.at[idx_v.at[c]], vals_v.at[c], sem.at[c])
            return carry

        lax.fori_loop(0, K, prime, 0)

        def step(j, accs):
            @pl.when(j + K < L)
            def _():
                c = j + K
                pltpu.async_copy(tw_sh.at[idx_v.at[c]], vals_v.at[c],
                                 sem.at[lax.rem(c, K)])

            pltpu.make_async_copy(tw_sh.at[idx_v.at[j]], vals_v.at[j],
                                  sem.at[lax.rem(j, K)]).wait()
            out = []
            for g in range(NG):
                v = vals_v[j, pl.ds(g * 16, 16)]
                out.append(accs[g] + jnp.where(j < lens_gs[g], v, 0.0))
            return tuple(out)

        accs = lax.fori_loop(
            0, L, step, tuple(jnp.zeros((16,), jnp.float32) for _ in range(NG)))

        bias = b_v[...]
        for g in range(NG):
            sl = pl.ds(g * 16, 16)
            out_v[sl] = accs[g] / lens_gs[g].astype(jnp.float32) + bias
        pltpu.sync_copy(out_v, out_hbm.at[pl.ds(base, BW)])

    return sc_bag


def kernel(x, lens, table, W, b):
    B, L = x.shape
    V, D = table.shape
    v_pad = ((V + 1023) // 1024) * 1024
    tw = _table_matvec(table.T, W.T, v_pad)
    b16 = jnp.broadcast_to(b.reshape(1).astype(jnp.float32), (16,))
    return _make_sc_bag(B, L, v_pad)(x.T, lens, tw, b16)

# --- scband reference (transcript-rebuilt; emitter-appended) ---
"""Pipeline reference for scband-linear-model-49469433315643 (READ-ONLY COPY).

The authoritative reference and input builder live on the scoring server;
editing this copy changes nothing except your own understanding.
"""

import jax, jax.numpy as jnp
import numpy as np

B, L, V, D, O = 4096, 200, 1000000, 64, 1

def setup_inputs(seed: int = 0) -> dict:
    key = jax.random.key(seed)
    k1, k2, k3, k4, k5 = jax.random.split(key, 5)
    # token ids, padded to hist_len L
    x = jax.random.randint(k1, (B, L), 0, V)
    # bag lengths; min 1 to avoid empty bags (EmbeddingBag mean of empty bag is NaN)
    lens = jax.random.randint(k2, (B,), 1, L + 1)
    # learned params: embedding table + linear layer
    table = jax.random.normal(k3, (V, D), dtype=jnp.float32)
    W = jax.random.normal(k4, (O, D), dtype=jnp.float32) * 0.05
    b = jax.random.normal(k5, (O,), dtype=jnp.float32) * 0.05
    return {"x": x, "lens": lens, "table": table, "W": W, "b": b}

def reference(x, lens, table, W, b):
    # Torch forward: concatenate e[:l] rows, build offsets, EmbeddingBag(mode='mean'),
    # then Linear, then squeeze(-1).
    # Equivalent masked formulation: mean over the first lens[i] token embeddings of row i.
    emb = jnp.take(table, x, axis=0)                      # [B, L, D] gather
    mask = (jnp.arange(x.shape[1])[None, :] < lens[:, None]).astype(table.dtype)  # [B, L]
    summed = jnp.einsum('bld,bl->bd', emb, mask)          # masked sum per bag
    mean = summed / lens.astype(table.dtype)[:, None]     # EmbeddingBag mean
    out = mean @ W.T + b                                  # Linear
    return out.squeeze(-1)                                # [B]

if __name__ == "__main__":
    import jax
    _d = setup_inputs()
    print(jax.jit(kernel)(*tuple(_d.values())))

</pallas_src>

<mosaic_0001>
#map = affine_map<(d0, d1) -> (0, 0)>
#map1 = affine_map<(d0, d1) -> (0)>
module attributes {stable_mosaic.version = 14 : i64} {
  func.func @sc_bag(%arg0: i32, %arg1: i32, %arg2: memref<200x4096xi32, #tpu.memory_space<hbm>>, %arg3: memref<4096xi32, #tpu.memory_space<hbm>>, %arg4: memref<1000448xf32, #tpu.memory_space<hbm>>, %arg5: memref<16xf32, #tpu.memory_space<hbm>>, %arg6: memref<4096xf32, #tpu.memory_space<hbm>>, %arg7: memref<200x128xi32, #tpu.memory_space<vmem>>, %arg8: memref<200x128xf32, #tpu.memory_space<vmem>>, %arg9: memref<128xi32, #tpu.memory_space<vmem>>, %arg10: memref<16xf32, #tpu.memory_space<vmem>>, %arg11: memref<128xf32, #tpu.memory_space<vmem>>, %arg12: memref<8x!tpu.dma_semaphore, #tpu.memory_space<semaphore_mem>>, %arg13: memref<!tpu.dma_semaphore, #tpu.memory_space<semaphore_mem>>, %arg14: memref<!tpu.dma_semaphore, #tpu.memory_space<semaphore_mem>>, %arg15: memref<1000448xf32, #tpu.memory_space<vmem_shared>>) attributes {dimension_semantics = [#tpu.dimension_semantics<core_parallel>, #tpu.dimension_semantics<subcore_parallel>], iteration_bounds = array<i64: 2, 16>, scalar_prefetch = 0 : i64, scratch_operands = 9 : i64, tpu.core_type = #tpu.core_type<sc_vector_subcore>, window_params = [{transform_indices = #map}, {transform_indices = #map1}, {transform_indices = #map1}, {transform_indices = #map1}, {transform_indices = #map1}]} {
    %mul3A = arith.constant 2 : i32
    %mul3A_0 = arith.muli %arg1, %mul3A : i32
    %add3A = arith.addi %mul3A_0, %arg0 : i32
    %mul3A_1 = arith.constant 128 : i32
    %mul3A_2 = arith.muli %add3A, %mul3A_1 : i32
    %dma_start3A = arith.constant 0 : i32
    %dma_start3A_3 = tpu.memref_slice %arg2[%dma_start3A, %mul3A_2] : memref<200x4096xi32, #tpu.memory_space<hbm>> -> memref<200x128xi32, #tpu.memory_space<hbm>>
    %dma_start3A_4 = arith.constant 0 : i32
    %dma_start3A_5 = tpu.memref_slice %arg2[%dma_start3A_4, %mul3A_2] : memref<200x4096xi32, #tpu.memory_space<hbm>> -> memref<200x128xi32, #tpu.memory_space<hbm>>
    tpu.enqueue_dma source(%dma_start3A_5 : memref<200x128xi32, #tpu.memory_space<hbm>>) target(%arg7 : memref<200x128xi32, #tpu.memory_space<vmem>>) target_semaphore(%arg13 : memref<!tpu.dma_semaphore, #tpu.memory_space<semaphore_mem>>)
    %dma_start3A_6 = tpu.memref_slice %arg3[%mul3A_2] : memref<4096xi32, #tpu.memory_space<hbm>> -> memref<128xi32, #tpu.memory_space<hbm>>
    %dma_start3A_7 = tpu.memref_slice %arg3[%mul3A_2] : memref<4096xi32, #tpu.memory_space<hbm>> -> memref<128xi32, #tpu.memory_space<hbm>>
    tpu.enqueue_dma source(%dma_start3A_7 : memref<128xi32, #tpu.memory_space<hbm>>) target(%arg9 : memref<128xi32, #tpu.memory_space<vmem>>) target_semaphore(%arg14 : memref<!tpu.dma_semaphore, #tpu.memory_space<semaphore_mem>>)
    tpu.enqueue_dma source(%arg5 : memref<16xf32, #tpu.memory_space<hbm>>) target(%arg10 : memref<16xf32, #tpu.memory_space<vmem>>) target_semaphore(%arg14 : memref<!tpu.dma_semaphore, #tpu.memory_space<semaphore_mem>>)
    %lt3A = arith.constant 15 : i32
    %lt3A_8 = arith.cmpi slt, %arg1, %lt3A : i32
    %convert_element_type3A = arith.extui %lt3A_8 : i1 to i32
    %cond3A = arith.constant 0 : i32
    %cond3A_9 = arith.cmpi ne, %convert_element_type3A, %cond3A : i32
    scf.if %cond3A_9 {
      %mul3A_100 = arith.constant 65536 : i32
      %mul3A_101 = arith.muli %arg1, %mul3A_100 : i32
      %mul3A_102 = arith.constant 65536 : i32
      %mul3A_103 = arith.muli %arg1, %mul3A_102 : i32
      "tpu.region"() ({
        %run_scoped3A = tpu.sem_alloc : memref<!tpu.dma_semaphore, #tpu.memory_space<semaphore_mem>>
        %dma_start3A_104 = tpu.memref_slice %arg15[%mul3A_103] : memref<1000448xf32, #tpu.memory_space<vmem_shared>> -> memref<65536xf32, #tpu.memory_space<vmem_shared>>
        %dma_start3A_105 = tpu.memref_slice %arg4[%mul3A_101] : memref<1000448xf32, #tpu.memory_space<hbm>> -> memref<65536xf32, #tpu.memory_space<hbm>>
        tpu.enqueue_dma source(%dma_start3A_105 : memref<65536xf32, #tpu.memory_space<hbm>>) target(%dma_start3A_104 : memref<65536xf32, #tpu.memory_space<vmem_shared>>) target_semaphore(%run_scoped3A : memref<!tpu.dma_semaphore, #tpu.memory_space<semaphore_mem>>)
        %dma_wait3A_106 = tpu.memref_slice %arg15[%mul3A_103] : memref<1000448xf32, #tpu.memory_space<vmem_shared>> -> memref<65536xf32, #tpu.memory_space<vmem_shared>>
        %dma_wait3A_107 = tpu.memref_slice %arg4[%mul3A_101] : memref<1000448xf32, #tpu.memory_space<hbm>> -> memref<65536xf32, #tpu.memory_space<hbm>>
        tpu.wait_dma2 semaphore(%run_scoped3A : memref<!tpu.dma_semaphore, #tpu.memory_space<semaphore_mem>>) src(%dma_wait3A_107 : memref<65536xf32, #tpu.memory_space<hbm>>) dst(%dma_wait3A_106 : memref<65536xf32, #tpu.memory_space<vmem_shared>>)
        tpu.yield
      }) : () -> ()
    } else {
    }
    %eq3A = arith.constant 15 : i32
    %eq3A_10 = arith.cmpi eq, %arg1, %eq3A : i32
    %convert_element_type3A_11 = arith.extui %eq3A_10 : i1 to i32
    %cond3A_12 = arith.constant 0 : i32
    %cond3A_13 = arith.cmpi ne, %convert_element_type3A_11, %cond3A_12 : i32
    scf.if %cond3A_13 {
      "tpu.region"() ({
        %run_scoped3A = tpu.sem_alloc : memref<!tpu.dma_semaphore, #tpu.memory_space<semaphore_mem>>
        %dma_start3A_100 = arith.constant 983040 : i32
        %dma_start3A_101 = tpu.memref_slice %arg15[%dma_start3A_100] : memref<1000448xf32, #tpu.memory_space<vmem_shared>> -> memref<17408xf32, #tpu.memory_space<vmem_shared>>
        %dma_start3A_102 = arith.constant 983040 : i32
        %dma_start3A_103 = tpu.memref_slice %arg4[%dma_start3A_102] : memref<1000448xf32, #tpu.memory_space<hbm>> -> memref<17408xf32, #tpu.memory_space<hbm>>
        tpu.enqueue_dma source(%dma_start3A_103 : memref<17408xf32, #tpu.memory_space<hbm>>) target(%dma_start3A_101 : memref<17408xf32, #tpu.memory_space<vmem_shared>>) target_semaphore(%run_scoped3A : memref<!tpu.dma_semaphore, #tpu.memory_space<semaphore_mem>>)
        %dma_wait3A_104 = arith.constant 983040 : i32
        %dma_wait3A_105 = tpu.memref_slice %arg15[%dma_wait3A_104] : memref<1000448xf32, #tpu.memory_space<vmem_shared>> -> memref<17408xf32, #tpu.memory_space<vmem_shared>>
        %dma_wait3A_106 = arith.constant 983040 : i32
        %dma_wait3A_107 = tpu.memref_slice %arg4[%dma_wait3A_106] : memref<1000448xf32, #tpu.memory_space<hbm>> -> memref<17408xf32, #tpu.memory_space<hbm>>
        tpu.wait_dma2 semaphore(%run_scoped3A : memref<!tpu.dma_semaphore, #tpu.memory_space<semaphore_mem>>) src(%dma_wait3A_107 : memref<17408xf32, #tpu.memory_space<hbm>>) dst(%dma_wait3A_105 : memref<17408xf32, #tpu.memory_space<vmem_shared>>)
        tpu.yield
      }) : () -> ()
    } else {
    }
    %dma_wait3A = arith.constant 0 : i32
    %dma_wait3A_14 = tpu.memref_slice %arg2[%dma_wait3A, %mul3A_2] : memref<200x4096xi32, #tpu.memory_space<hbm>> -> memref<200x128xi32, #tpu.memory_space<hbm>>
    %dma_wait3A_15 = arith.constant 0 : i32
    %dma_wait3A_16 = tpu.memref_slice %arg2[%dma_wait3A_15, %mul3A_2] : memref<200x4096xi32, #tpu.memory_space<hbm>> -> memref<200x128xi32, #tpu.memory_space<hbm>>
    tpu.wait_dma2 semaphore(%arg13 : memref<!tpu.dma_semaphore, #tpu.memory_space<semaphore_mem>>) src(%dma_wait3A_16 : memref<200x128xi32, #tpu.memory_space<hbm>>) dst(%arg7 : memref<200x128xi32, #tpu.memory_space<vmem>>)
    %barrier3A = arith.constant 0 : index
    tpu.barrier barrier_id(%barrier3A)
    %dma_wait3A_17 = tpu.memref_slice %arg3[%mul3A_2] : memref<4096xi32, #tpu.memory_space<hbm>> -> memref<128xi32, #tpu.memory_space<hbm>>
    %dma_wait3A_18 = tpu.memref_slice %arg3[%mul3A_2] : memref<4096xi32, #tpu.memory_space<hbm>> -> memref<128xi32, #tpu.memory_space<hbm>>
    tpu.wait_dma2 semaphore(%arg14 : memref<!tpu.dma_semaphore, #tpu.memory_space<semaphore_mem>>) src(%dma_wait3A_18 : memref<128xi32, #tpu.memory_space<hbm>>) dst(%arg9 : memref<128xi32, #tpu.memory_space<vmem>>)
    tpu.wait_dma2 semaphore(%arg14 : memref<!tpu.dma_semaphore, #tpu.memory_space<semaphore_mem>>) src(%arg5 : memref<16xf32, #tpu.memory_space<hbm>>) dst(%arg10 : memref<16xf32, #tpu.memory_space<vmem>>)
    %get3A = arith.constant 0 : index
    %get3A_19 = tpu.vector_load %arg9[%get3A] {strides = array<i32>} : memref<128xi32, #tpu.memory_space<vmem>>, vector<16xi32>,
    %get3A_20 = arith.constant 16 : index
    %get3A_21 = tpu.vector_load %arg9[%get3A_20] {strides = array<i32>} : memref<128xi32, #tpu.memory_space<vmem>>, vector<16xi32>,
    %get3A_22 = arith.constant 32 : index
    %get3A_23 = tpu.vector_load %arg9[%get3A_22] {strides = array<i32>} : memref<128xi32, #tpu.memory_space<vmem>>, vector<16xi32>,
    %get3A_24 = arith.constant 48 : index
    %get3A_25 = tpu.vector_load %arg9[%get3A_24] {strides = array<i32>} : memref<128xi32, #tpu.memory_space<vmem>>, vector<16xi32>,
    %get3A_26 = arith.constant 64 : index
    %get3A_27 = tpu.vector_load %arg9[%get3A_26] {strides = array<i32>} : memref<128xi32, #tpu.memory_space<vmem>>, vector<16xi32>,
    %get3A_28 = arith.constant 80 : index
    %get3A_29 = tpu.vector_load %arg9[%get3A_28] {strides = array<i32>} : memref<128xi32, #tpu.memory_space<vmem>>, vector<16xi32>,
    %get3A_30 = arith.constant 96 : index
    %get3A_31 = tpu.vector_load %arg9[%get3A_30] {strides = array<i32>} : memref<128xi32, #tpu.memory_space<vmem>>, vector<16xi32>,
    %get3A_32 = arith.constant 112 : index
    %get3A_33 = tpu.vector_load %arg9[%get3A_32] {strides = array<i32>} : memref<128xi32, #tpu.memory_space<vmem>>, vector<16xi32>,
    %scan3A = arith.constant 0 : i32
    %scan3A_34 = arith.constant 0 : i32
    %scan3A_35 = arith.constant 8 : i32
    %scan3A_36 = arith.addi %scan3A_34, %scan3A_35 : i32
    %scan3A_37 = arith.constant 1 : i32
    scf.for %scan3A_100 = %scan3A_34 to %scan3A_36 step %scan3A_37  : i32 {
      %dma_start3A_101 = arith.constant 0 : i32
      %dma_start3A_102 = tpu.memref_slice %arg8[%scan3A_100, %dma_start3A_101] : memref<200x128xf32, #tpu.memory_space<vmem>> -> memref<1x128xf32, #tpu.memory_space<vmem>>
      %dma_start3A_103 = tpu.memref_squeeze %dma_start3A_102 : memref<1x128xf32, #tpu.memory_space<vmem>> -> memref<128xf32, #tpu.memory_space<vmem>>
      %dma_start3A_104 = arith.constant 0 : i32
      %dma_start3A_105 = tpu.memref_slice %arg7[%scan3A_100, %dma_start3A_104] : memref<200x128xi32, #tpu.memory_space<vmem>> -> memref<1x128xi32, #tpu.memory_space<vmem>>
      %dma_start3A_106 = tpu.memref_squeeze %dma_start3A_105 : memref<1x128xi32, #tpu.memory_space<vmem>> -> memref<128xi32, #tpu.memory_space<vmem>>
      %dma_start3A_107 = arith.constant 0 : i32
      %dma_start3A_108 = tpu.memref_slice %arg15[%dma_start3A_107] : memref<1000448xf32, #tpu.memory_space<vmem_shared>> -> memref<1000448xf32, #tpu.memory_space<vmem_shared>>
      %dma_start3A_109 = tpu.memref_slice %arg12[%scan3A_100] : memref<8x!tpu.dma_semaphore, #tpu.memory_space<semaphore_mem>> -> memref<1x!tpu.dma_semaphore, #tpu.memory_space<semaphore_mem>>
      %dma_start3A_110 = tpu.memref_squeeze %dma_start3A_109 : memref<1x!tpu.dma_semaphore, #tpu.memory_space<semaphore_mem>> -> memref<!tpu.dma_semaphore, #tpu.memory_space<semaphore_mem>>
      tpu.enqueue_indirect_dma source(%dma_start3A_108 : memref<1000448xf32, #tpu.memory_space<vmem_shared>>) target(%dma_start3A_103 : memref<128xf32, #tpu.memory_space<vmem>>) offsets(%dma_start3A_106 : memref<128xi32, #tpu.memory_space<vmem>>) semaphore(%dma_start3A_110 : memref<!tpu.dma_semaphore, #tpu.memory_space<semaphore_mem>>)
    }
    %scan3A_38 = arith.constant 8 : i32
    %broadcast_in_dim3A = arith.constant 0.000000e+00 : f32
    %broadcast_in_dim3A_39 = vector.broadcast %broadcast_in_dim3A : f32 to vector<16xf32>
    %broadcast_in_dim3A_40 = arith.constant 0.000000e+00 : f32
    %broadcast_in_dim3A_41 = vector.broadcast %broadcast_in_dim3A_40 : f32 to vector<16xf32>
    %broadcast_in_dim3A_42 = arith.constant 0.000000e+00 : f32
    %broadcast_in_dim3A_43 = vector.broadcast %broadcast_in_dim3A_42 : f32 to vector<16xf32>
    %broadcast_in_dim3A_44 = arith.constant 0.000000e+00 : f32
    %broadcast_in_dim3A_45 = vector.broadcast %broadcast_in_dim3A_44 : f32 to vector<16xf32>
    %broadcast_in_dim3A_46 = arith.constant 0.000000e+00 : f32
    %broadcast_in_dim3A_47 = vector.broadcast %broadcast_in_dim3A_46 : f32 to vector<16xf32>
    %broadcast_in_dim3A_48 = arith.constant 0.000000e+00 : f32
    %broadcast_in_dim3A_49 = vector.broadcast %broadcast_in_dim3A_48 : f32 to vector<16xf32>
    %broadcast_in_dim3A_50 = arith.constant 0.000000e+00 : f32
    %broadcast_in_dim3A_51 = vector.broadcast %broadcast_in_dim3A_50 : f32 to vector<16xf32>
    %broadcast_in_dim3A_52 = arith.constant 0.000000e+00 : f32
    %broadcast_in_dim3A_53 = vector.broadcast %broadcast_in_dim3A_52 : f32 to vector<16xf32>
    %scan3A_54 = arith.constant 0 : i32
    %scan3A_55 = arith.constant 200 : i32
    %scan3A_56 = arith.addi %scan3A_54, %scan3A_55 : i32
    %scan3A_57 = arith.constant 1 : i32
    %scan3A_58:8 = scf.for %scan3A_100 = %scan3A_54 to %scan3A_56 step %scan3A_57 iter_args(%scan3A_101 = %broadcast_in_dim3A_39, %scan3A_102 = %broadcast_in_dim3A_41, %scan3A_103 = %broadcast_in_dim3A_43, %scan3A_104 = %broadcast_in_dim3A_45, %scan3A_105 = %broadcast_in_dim3A_47, %scan3A_106 = %broadcast_in_dim3A_49, %scan3A_107 = %broadcast_in_dim3A_51, %scan3A_108 = %broadcast_in_dim3A_53) -> (vector<16xf32>, vector<16xf32>, vector<16xf32>, vector<16xf32>, vector<16xf32>, vector<16xf32>, vector<16xf32>, vector<16xf32>)  : i32 {
      %add3A_109 = arith.constant 8 : i32
      %add3A_110 = arith.addi %scan3A_100, %add3A_109 : i32
      %lt3A_111 = arith.constant 200 : i32
      %lt3A_112 = arith.cmpi slt, %add3A_110, %lt3A_111 : i32
      %convert_element_type3A_113 = arith.extui %lt3A_112 : i1 to i32
      %cond3A_114 = arith.constant 0 : i32
      %cond3A_115 = arith.cmpi ne, %convert_element_type3A_113, %cond3A_114 : i32
      scf.if %cond3A_115 {
        %add3A_197 = arith.constant 8 : i32
        %add3A_198 = arith.addi %scan3A_100, %add3A_197 : i32
        %rem3A_199 = arith.constant 8 : i32
        %rem3A_200 = arith.remsi %add3A_198, %rem3A_199 : i32
        %dma_start3A_201 = arith.constant 0 : i32
        %dma_start3A_202 = tpu.memref_slice %arg8[%add3A_198, %dma_start3A_201] : memref<200x128xf32, #tpu.memory_space<vmem>> -> memref<1x128xf32, #tpu.memory_space<vmem>>
        %dma_start3A_203 = tpu.memref_squeeze %dma_start3A_202 : memref<1x128xf32, #tpu.memory_space<vmem>> -> memref<128xf32, #tpu.memory_space<vmem>>
        %dma_start3A_204 = arith.constant 0 : i32
        %dma_start3A_205 = tpu.memref_slice %arg7[%add3A_198, %dma_start3A_204] : memref<200x128xi32, #tpu.memory_space<vmem>> -> memref<1x128xi32, #tpu.memory_space<vmem>>
        %dma_start3A_206 = tpu.memref_squeeze %dma_start3A_205 : memref<1x128xi32, #tpu.memory_space<vmem>> -> memref<128xi32, #tpu.memory_space<vmem>>
        %dma_start3A_207 = arith.constant 0 : i32
        %dma_start3A_208 = tpu.memref_slice %arg15[%dma_start3A_207] : memref<1000448xf32, #tpu.memory_space<vmem_shared>> -> memref<1000448xf32, #tpu.memory_space<vmem_shared>>
        %dma_start3A_209 = tpu.memref_slice %arg12[%rem3A_200] : memref<8x!tpu.dma_semaphore, #tpu.memory_space<semaphore_mem>> -> memref<1x!tpu.dma_semaphore, #tpu.memory_space<semaphore_mem>>
        %dma_start3A_210 = tpu.memref_squeeze %dma_start3A_209 : memref<1x!tpu.dma_semaphore, #tpu.memory_space<semaphore_mem>> -> memref<!tpu.dma_semaphore, #tpu.memory_space<semaphore_mem>>
        tpu.enqueue_indirect_dma source(%dma_start3A_208 : memref<1000448xf32, #tpu.memory_space<vmem_shared>>) target(%dma_start3A_203 : memref<128xf32, #tpu.memory_space<vmem>>) offsets(%dma_start3A_206 : memref<128xi32, #tpu.memory_space<vmem>>) semaphore(%dma_start3A_210 : memref<!tpu.dma_semaphore, #tpu.memory_space<semaphore_mem>>)
      } else {
      }
      %rem3A = arith.constant 8 : i32
      %rem3A_116 = arith.remsi %scan3A_100, %rem3A : i32
      %dma_wait3A_117 = arith.constant 0 : i32
      %dma_wait3A_118 = tpu.memref_slice %arg8[%scan3A_100, %dma_wait3A_117] : memref<200x128xf32, #tpu.memory_space<vmem>> -> memref<1x128xf32, #tpu.memory_space<vmem>>
      %dma_wait3A_119 = tpu.memref_squeeze %dma_wait3A_118 : memref<1x128xf32, #tpu.memory_space<vmem>> -> memref<128xf32, #tpu.memory_space<vmem>>
      %dma_wait3A_120 = arith.constant 0 : i32
      %dma_wait3A_121 = tpu.memref_slice %arg7[%scan3A_100, %dma_wait3A_120] : memref<200x128xi32, #tpu.memory_space<vmem>> -> memref<1x128xi32, #tpu.memory_space<vmem>>
      %dma_wait3A_122 = tpu.memref_squeeze %dma_wait3A_121 : memref<1x128xi32, #tpu.memory_space<vmem>> -> memref<128xi32, #tpu.memory_space<vmem>>
      %dma_wait3A_123 = arith.constant 0 : i32
      %dma_wait3A_124 = tpu.memref_slice %arg15[%dma_wait3A_123] : memref<1000448xf32, #tpu.memory_space<vmem_shared>> -> memref<1000448xf32, #tpu.memory_space<vmem_shared>>
      %dma_wait3A_125 = tpu.memref_slice %arg12[%rem3A_116] : memref<8x!tpu.dma_semaphore, #tpu.memory_space<semaphore_mem>> -> memref<1x!tpu.dma_semaphore, #tpu.memory_space<semaphore_mem>>
      %dma_wait3A_126 = tpu.memref_squeeze %dma_wait3A_125 : memref<1x!tpu.dma_semaphore, #tpu.memory_space<semaphore_mem>> -> memref<!tpu.dma_semaphore, #tpu.memory_space<semaphore_mem>>
      tpu.wait_indirect_dma semaphore(%dma_wait3A_126 : memref<!tpu.dma_semaphore, #tpu.memory_space<semaphore_mem>>) src(%dma_wait3A_124 : memref<1000448xf32, #tpu.memory_space<vmem_shared>>) dst(%dma_wait3A_119 : memref<128xf32, #tpu.memory_space<vmem>>)
      %get3A_127 = arith.index_cast %scan3A_100 : i32 to index
      %get3A_128 = arith.constant 0 : index
      %get3A_129 = tpu.vector_load %arg8[%get3A_127, %get3A_128] {strides = array<i32>} : memref<200x128xf32, #tpu.memory_space<vmem>>, vector<16xf32>,
      %lt3A_130 = vector.broadcast %scan3A_100 : i32 to vector<16xi32>
      %lt3A_131 = arith.cmpi slt, %lt3A_130, %get3A_19 : vector<16xi32>
      %jit3A = arith.constant 0.000000e+00 : f32
      %broadcast_in_dim3A_132 = vector.broadcast %jit3A : f32 to vector<16xf32>
      %select_n3A = arith.select %lt3A_131, %get3A_129, %broadcast_in_dim3A_132 : vector<16xi1>, vector<16xf32>
      %add3A_133 = arith.addf %scan3A_101, %select_n3A : vector<16xf32>
      %get3A_134 = arith.index_cast %scan3A_100 : i32 to index
      %get3A_135 = arith.constant 16 : index
      %get3A_136 = tpu.vector_load %arg8[%get3A_134, %get3A_135] {strides = array<i32>} : memref<200x128xf32, #tpu.memory_space<vmem>>, vector<16xf32>,
      %lt3A_137 = vector.broadcast %scan3A_100 : i32 to vector<16xi32>
      %lt3A_138 = arith.cmpi slt, %lt3A_137, %get3A_21 : vector<16xi32>
      %jit3A_139 = arith.constant 0.000000e+00 : f32
      %broadcast_in_dim3A_140 = vector.broadcast %jit3A_139 : f32 to vector<16xf32>
      %select_n3A_141 = arith.select %lt3A_138, %get3A_136, %broadcast_in_dim3A_140 : vector<16xi1>, vector<16xf32>
      %add3A_142 = arith.addf %scan3A_102, %select_n3A_141 : vector<16xf32>
      %get3A_143 = arith.index_cast %scan3A_100 : i32 to index
      %get3A_144 = arith.constant 32 : index
      %get3A_145 = tpu.vector_load %arg8[%get3A_143, %get3A_144] {strides = array<i32>} : memref<200x128xf32, #tpu.memory_space<vmem>>, vector<16xf32>,
      %lt3A_146 = vector.broadcast %scan3A_100 : i32 to vector<16xi32>
      %lt3A_147 = arith.cmpi slt, %lt3A_146, %get3A_23 : vector<16xi32>
      %jit3A_148 = arith.constant 0.000000e+00 : f32
      %broadcast_in_dim3A_149 = vector.broadcast %jit3A_148 : f32 to vector<16xf32>
      %select_n3A_150 = arith.select %lt3A_147, %get3A_145, %broadcast_in_dim3A_149 : vector<16xi1>, vector<16xf32>
      %add3A_151 = arith.addf %scan3A_103, %select_n3A_150 : vector<16xf32>
      %get3A_152 = arith.index_cast %scan3A_100 : i32 to index
      %get3A_153 = arith.constant 48 : index
      %get3A_154 = tpu.vector_load %arg8[%get3A_152, %get3A_153] {strides = array<i32>} : memref<200x128xf32, #tpu.memory_space<vmem>>, vector<16xf32>,
      %lt3A_155 = vector.broadcast %scan3A_100 : i32 to vector<16xi32>
      %lt3A_156 = arith.cmpi slt, %lt3A_155, %get3A_25 : vector<16xi32>
      %jit3A_157 = arith.constant 0.000000e+00 : f32
      %broadcast_in_dim3A_158 = vector.broadcast %jit3A_157 : f32 to vector<16xf32>
      %select_n3A_159 = arith.select %lt3A_156, %get3A_154, %broadcast_in_dim3A_158 : vector<16xi1>, vector<16xf32>
      %add3A_160 = arith.addf %scan3A_104, %select_n3A_159 : vector<16xf32>
      %get3A_161 = arith.index_cast %scan3A_100 : i32 to index
      %get3A_162 = arith.constant 64 : index
      %get3A_163 = tpu.vector_load %arg8[%get3A_161, %get3A_162] {strides = array<i32>} : memref<200x128xf32, #tpu.memory_space<vmem>>, vector<16xf32>,
      %lt3A_164 = vector.broadcast %scan3A_100 : i32 to vector<16xi32>
      %lt3A_165 = arith.cmpi slt, %lt3A_164, %get3A_27 : vector<16xi32>
      %jit3A_166 = arith.constant 0.000000e+00 : f32
      %broadcast_in_dim3A_167 = vector.broadcast %jit3A_166 : f32 to vector<16xf32>
      %select_n3A_168 = arith.select %lt3A_165, %get3A_163, %broadcast_in_dim3A_167 : vector<16xi1>, vector<16xf32>
      %add3A_169 = arith.addf %scan3A_105, %select_n3A_168 : vector<16xf32>
      %get3A_170 = arith.index_cast %scan3A_100 : i32 to index
      %get3A_171 = arith.constant 80 : index
      %get3A_172 = tpu.vector_load %arg8[%get3A_170, %get3A_171] {strides = array<i32>} : memref<200x128xf32, #tpu.memory_space<vmem>>, vector<16xf32>,
      %lt3A_173 = vector.broadcast %scan3A_100 : i32 to vector<16xi32>
      %lt3A_174 = arith.cmpi slt, %lt3A_173, %get3A_29 : vector<16xi32>
      %jit3A_175 = arith.constant 0.000000e+00 : f32
      %broadcast_in_dim3A_176 = vector.broadcast %jit3A_175 : f32 to vector<16xf32>
      %select_n3A_177 = arith.select %lt3A_174, %get3A_172, %broadcast_in_dim3A_176 : vector<16xi1>, vector<16xf32>
      %add3A_178 = arith.addf %scan3A_106, %select_n3A_177 : vector<16xf32>
      %get3A_179 = arith.index_cast %scan3A_100 : i32 to index
      %get3A_180 = arith.constant 96 : index
      %get3A_181 = tpu.vector_load %arg8[%get3A_179, %get3A_180] {strides = array<i32>} : memref<200x128xf32, #tpu.memory_space<vmem>>, vector<16xf32>,
      %lt3A_182 = vector.broadcast %scan3A_100 : i32 to vector<16xi32>
      %lt3A_183 = arith.cmpi slt, %lt3A_182, %get3A_31 : vector<16xi32>
      %jit3A_184 = arith.constant 0.000000e+00 : f32
      %broadcast_in_dim3A_185 = vector.broadcast %jit3A_184 : f32 to vector<16xf32>
      %select_n3A_186 = arith.select %lt3A_183, %get3A_181, %broadcast_in_dim3A_185 : vector<16xi1>, vector<16xf32>
      %add3A_187 = arith.addf %scan3A_107, %select_n3A_186 : vector<16xf32>
      %get3A_188 = arith.index_cast %scan3A_100 : i32 to index
      %get3A_189 = arith.constant 112 : index
      %get3A_190 = tpu.vector_load %arg8[%get3A_188, %get3A_189] {strides = array<i32>} : memref<200x128xf32, #tpu.memory_space<vmem>>, vector<16xf32>,
      %lt3A_191 = vector.broadcast %scan3A_100 : i32 to vector<16xi32>
      %lt3A_192 = arith.cmpi slt, %lt3A_191, %get3A_33 : vector<16xi32>
      %jit3A_193 = arith.constant 0.000000e+00 : f32
      %broadcast_in_dim3A_194 = vector.broadcast %jit3A_193 : f32 to vector<16xf32>
      %select_n3A_195 = arith.select %lt3A_192, %get3A_190, %broadcast_in_dim3A_194 : vector<16xi1>, vector<16xf32>
      %add3A_196 = arith.addf %scan3A_108, %select_n3A_195 : vector<16xf32>
      scf.yield %add3A_133, %add3A_142, %add3A_151, %add3A_160, %add3A_169, %add3A_178, %add3A_187, %add3A_196 : vector<16xf32>, vector<16xf32>, vector<16xf32>, vector<16xf32>, vector<16xf32>, vector<16xf32>, vector<16xf32>, vector<16xf32>
    }
    %scan3A_59 = arith.constant 200 : i32
    %get3A_60 = arith.constant 0 : index
    %get3A_61 = tpu.vector_load %arg10[%get3A_60] {strides = array<i32>} : memref<16xf32, #tpu.memory_space<vmem>>, vector<16xf32>,
    %convert_element_type3A_62 = arith.sitofp %get3A_19 : vector<16xi32> to vector<16xf32>
    %div3A = arith.divf %scan3A_58#0, %convert_element_type3A_62 : vector<16xf32>
    %add3A_63 = arith.addf %div3A, %get3A_61 : vector<16xf32>
    %swap3A = arith.constant 0 : index
    %swap3A_64 = tpu.vector_load %arg11[%swap3A] {strides = array<i32>} : memref<128xf32, #tpu.memory_space<vmem>>, vector<16xf32>,
    tpu.vector_store %arg11[%swap3A], %add3A_63 {strides = array<i32>} : memref<128xf32, #tpu.memory_space<vmem>>, vector<16xf32>,
    %convert_element_type3A_65 = arith.sitofp %get3A_21 : vector<16xi32> to vector<16xf32>
    %div3A_66 = arith.divf %scan3A_58#1, %convert_element_type3A_65 : vector<16xf32>
    %add3A_67 = arith.addf %div3A_66, %get3A_61 : vector<16xf32>
    %swap3A_68 = arith.constant 16 : index
    %swap3A_69 = tpu.vector_load %arg11[%swap3A_68] {strides = array<i32>} : memref<128xf32, #tpu.memory_space<vmem>>, vector<16xf32>,
    tpu.vector_store %arg11[%swap3A_68], %add3A_67 {strides = array<i32>} : memref<128xf32, #tpu.memory_space<vmem>>, vector<16xf32>,
    %convert_element_type3A_70 = arith.sitofp %get3A_23 : vector<16xi32> to vector<16xf32>
    %div3A_71 = arith.divf %scan3A_58#2, %convert_element_type3A_70 : vector<16xf32>
    %add3A_72 = arith.addf %div3A_71, %get3A_61 : vector<16xf32>
    %swap3A_73 = arith.constant 32 : index
    %swap3A_74 = tpu.vector_load %arg11[%swap3A_73] {strides = array<i32>} : memref<128xf32, #tpu.memory_space<vmem>>, vector<16xf32>,
    tpu.vector_store %arg11[%swap3A_73], %add3A_72 {strides = array<i32>} : memref<128xf32, #tpu.memory_space<vmem>>, vector<16xf32>,
    %convert_element_type3A_75 = arith.sitofp %get3A_25 : vector<16xi32> to vector<16xf32>
    %div3A_76 = arith.divf %scan3A_58#3, %convert_element_type3A_75 : vector<16xf32>
    %add3A_77 = arith.addf %div3A_76, %get3A_61 : vector<16xf32>
    %swap3A_78 = arith.constant 48 : index
    %swap3A_79 = tpu.vector_load %arg11[%swap3A_78] {strides = array<i32>} : memref<128xf32, #tpu.memory_space<vmem>>, vector<16xf32>,
    tpu.vector_store %arg11[%swap3A_78], %add3A_77 {strides = array<i32>} : memref<128xf32, #tpu.memory_space<vmem>>, vector<16xf32>,
    %convert_element_type3A_80 = arith.sitofp %get3A_27 : vector<16xi32> to vector<16xf32>
    %div3A_81 = arith.divf %scan3A_58#4, %convert_element_type3A_80 : vector<16xf32>
    %add3A_82 = arith.addf %div3A_81, %get3A_61 : vector<16xf32>
    %swap3A_83 = arith.constant 64 : index
    %swap3A_84 = tpu.vector_load %arg11[%swap3A_83] {strides = array<i32>} : memref<128xf32, #tpu.memory_space<vmem>>, vector<16xf32>,
    tpu.vector_store %arg11[%swap3A_83], %add3A_82 {strides = array<i32>} : memref<128xf32, #tpu.memory_space<vmem>>, vector<16xf32>,
    %convert_element_type3A_85 = arith.sitofp %get3A_29 : vector<16xi32> to vector<16xf32>
    %div3A_86 = arith.divf %scan3A_58#5, %convert_element_type3A_85 : vector<16xf32>
    %add3A_87 = arith.addf %div3A_86, %get3A_61 : vector<16xf32>
    %swap3A_88 = arith.constant 80 : index
    %swap3A_89 = tpu.vector_load %arg11[%swap3A_88] {strides = array<i32>} : memref<128xf32, #tpu.memory_space<vmem>>, vector<16xf32>,
    tpu.vector_store %arg11[%swap3A_88], %add3A_87 {strides = array<i32>} : memref<128xf32, #tpu.memory_space<vmem>>, vector<16xf32>,
    %convert_element_type3A_90 = arith.sitofp %get3A_31 : vector<16xi32> to vector<16xf32>
    %div3A_91 = arith.divf %scan3A_58#6, %convert_element_type3A_90 : vector<16xf32>
    %add3A_92 = arith.addf %div3A_91, %get3A_61 : vector<16xf32>
    %swap3A_93 = arith.constant 96 : index
    %swap3A_94 = tpu.vector_load %arg11[%swap3A_93] {strides = array<i32>} : memref<128xf32, #tpu.memory_space<vmem>>, vector<16xf32>,
    tpu.vector_store %arg11[%swap3A_93], %add3A_92 {strides = array<i32>} : memref<128xf32, #tpu.memory_space<vmem>>, vector<16xf32>,
    %convert_element_type3A_95 = arith.sitofp %get3A_33 : vector<16xi32> to vector<16xf32>
    %div3A_96 = arith.divf %scan3A_58#7, %convert_element_type3A_95 : vector<16xf32>
    %add3A_97 = arith.addf %div3A_96, %get3A_61 : vector<16xf32>
    %swap3A_98 = arith.constant 112 : index
    %swap3A_99 = tpu.vector_load %arg11[%swap3A_98] {strides = array<i32>} : memref<128xf32, #tpu.memory_space<vmem>>, vector<16xf32>,
    tpu.vector_store %arg11[%swap3A_98], %add3A_97 {strides = array<i32>} : memref<128xf32, #tpu.memory_space<vmem>>, vector<16xf32>,
    "tpu.region"() ({
      %run_scoped3A = tpu.sem_alloc : memref<!tpu.dma_semaphore, #tpu.memory_space<semaphore_mem>>
      %dma_start3A_100 = tpu.memref_slice %arg6[%mul3A_2] : memref<4096xf32, #tpu.memory_space<hbm>> -> memref<128xf32, #tpu.memory_space<hbm>>
      %dma_start3A_101 = tpu.memref_slice %arg6[%mul3A_2] : memref<4096xf32, #tpu.memory_space<hbm>> -> memref<128xf32, #tpu.memory_space<hbm>>
      tpu.enqueue_dma source(%arg11 : memref<128xf32, #tpu.memory_space<vmem>>) target(%dma_start3A_101 : memref<128xf32, #tpu.memory_space<hbm>>) target_semaphore(%run_scoped3A : memref<!tpu.dma_semaphore, #tpu.memory_space<semaphore_mem>>)
      %dma_wait3A_102 = tpu.memref_slice %arg6[%mul3A_2] : memref<4096xf32, #tpu.memory_space<hbm>> -> memref<128xf32, #tpu.memory_space<hbm>>
      %dma_wait3A_103 = tpu.memref_slice %arg6[%mul3A_2] : memref<4096xf32, #tpu.memory_space<hbm>> -> memref<128xf32, #tpu.memory_space<hbm>>
      tpu.wait_dma2 semaphore(%run_scoped3A : memref<!tpu.dma_semaphore, #tpu.memory_space<semaphore_mem>>) src(%arg11 : memref<128xf32, #tpu.memory_space<vmem>>) dst(%dma_wait3A_103 : memref<128xf32, #tpu.memory_space<hbm>>)
      tpu.yield
    }) : () -> ()
    return
  }
}

module attributes {stable_mosaic.version = 14 : i64} {
  func.func @_mv_body(%arg0: i32, %arg1: memref<64x32768xf32, #tpu.memory_space<vmem>>, %arg2: memref<64x1xf32, #tpu.memory_space<vmem>>, %arg3: memref<32768xf32, #tpu.memory_space<vmem>>) attributes {dimension_semantics = [#tpu.dimension_semantics<arbitrary>], iteration_bounds = array<i64: 31>, scalar_prefetch = 0 : i64, scratch_operands = 0 : i64, tpu.core_type = #tpu.core_type<tc>, window_params = [{transform_indices = @transform_0, window_bounds = array<i64: 64, 32768>}, {pipeline_mode = #tpu.pipeline_mode<synchronous>, transform_indices = @transform_1, window_bounds = array<i64: 64, 1>}, {transform_indices = @transform_2, window_bounds = array<i64: 32768>}]} {
    %get3A = arith.constant 0 : index
    %get3A_0 = arith.constant 0 : index
    %get3A_1 = vector.load %arg1[%get3A, %get3A_0] : memref<64x32768xf32, #tpu.memory_space<vmem>>, vector<64x32768xf32>
    %get3A_2 = arith.constant 0 : index
    %get3A_3 = arith.constant 0 : index
    %get3A_4 = vector.load %arg2[%get3A_2, %get3A_3] : memref<64x1xf32, #tpu.memory_space<vmem>>, vector<64x1xf32>
    %mul3A = vector.broadcast %get3A_4 : vector<64x1xf32> to vector<64x32768xf32>
    %mul3A_5 = arith.mulf %get3A_1, %mul3A : vector<64x32768xf32>
    %reduce_sum3A = arith.constant dense<0.000000e+00> : vector<32768xf32>
    %reduce_sum3A_6 = vector.multi_reduction <add>, %mul3A_5, %reduce_sum3A [0] : vector<64x32768xf32> to vector<32768xf32>
    %swap3A = arith.constant 0 : index
    %swap3A_7 = vector.load %arg3[%swap3A] : memref<32768xf32, #tpu.memory_space<vmem>>, vector<32768xf32>
    tpu.vector_store %arg3[%swap3A], %reduce_sum3A_6 {strides = array<i32>} : memref<32768xf32, #tpu.memory_space<vmem>>, vector<32768xf32>,
    return
  }
  func.func @transform_0(%arg0: i32) -> (i32, i32) {
    %c0_i32 = arith.constant 0 : i32
    %c0_i32_0 = arith.constant 0 : i32
    return %c0_i32, %arg0 : i32, i32
  }
  func.func @transform_1(%arg0: i32) -> (i32, i32) {
    %c0_i32 = arith.constant 0 : i32
    %c0_i32_0 = arith.constant 0 : i32
    %c0_i32_1 = arith.constant 0 : i32
    return %c0_i32, %c0_i32_0 : i32, i32
  }
  func.func @transform_2(%arg0: i32) -> i32 {
    %c0_i32 = arith.constant 0 : i32
    return %arg0 : i32
  }
}

</mosaic_0001>

<sc_bundles>
// kernel: kernel.4.cloned.1.call-start
scs
__scs_entry_jumppad:
0x0: {  	(pc) =	sbr.rel $0x88, $3  }
0x1: {  	(tag) =	ssettag $0x0;
	lr =	simm.s32 $0x1  }
0x2: {  	[smem:$0x3F9C] =	sst lr;
	_ =	strace $0xD0000000  }
0x3: {  	_ = 	snop  }
0x4: {  	_ = 	snop  }
0x5: {  	_ = 	snop  }
0x6: {  	_ = 	snop  }
0x7: {  	_ = 	snop  }
__scs_overlays_trampoline_lowered:
0x8: {  	[smem:$0x3FAB] =	sst s0  }
0x9: {  	[smem:$0x3FAC] =	sst s1  }
0xa: {  	[smem:$0x3FAD] =	sst s2  }
0xb: {  	[smem:$0x3FAE] =	sst s3  }
0xc: {  	[smem:$0x3FAF] =	sst s4  }
0xd: {  	[smem:$0x3FB0] =	sst s5  }
0xe: {  	[smem:$0x3FB1] =	sst s6  }
0xf: {  	[smem:$0x3FB2] =	sst s7  }
0x10: {  	[smem:$0x3FB3] =	sst s8  }
0x11: {  	[smem:$0x3FB4] =	sst s9;
	s0 =	simm.s32 @!p0 $0x0  }
0x12: {  	s1 =	sld [smem:$0x3F9A];
	s0 =	simm.s32 @p0 $0x1  }
0x13: {  	[smem:$0x3FB5] =	sst s0;
	s0 =	simm.s32 @!p1 $0x0  }
0x14: {  	s2 =	sld [smem:$0x3F99];
	s0 =	simm.s32 @p1 $0x1  }
0x15: {  	[smem:$0x3FB6] =	sst s0;
	s0 =	simm.s32 @!p2 $0x0  }
0x16: {  	s3 =	sld [smem:$0x3FDB];
	s0 =	simm.s32 @p2 $0x1  }
0x17: {  	s4 =	simm.s32 $0x1BF5;
	[smem:$0x3FB8] =	sst s0  }
0x18: {  	s0 =	sld [smem:$0x3F9B];
	_ =	swait.ge [sflag:s4], $0x0  }
0x19: {  	s7 =	sld [smem:$0x3F9C]  }
0x1a: {  	s8 =	sadd.s32 $0xFFFFE003, lr  }
0x1b: {  	s9 =	sadd.s32 $0xFFFFFEF7, lr;
	s5 =	simm.s32 $0xFFFFFFFF;
	p2 =	slt.u32 s8, $0xFFFFF086  }
0x1c: {  	p1 =	slt.u32 s9, $0xF7A;
	s5 =	simm.s32 @!p2 $0x0  }
0x1d: {  	s5 =	simm.s32 @p1 $0x1;
	p0 =	seq.s32 s7, s2  }
0x1e: {  	s7 =	smul.u32 @!p0 $0xF7A, s2;
	p2 =	seq.s32 @!p0 s5, $0x0  }
0x1f: {  	s9 =	smul.u32 $0xF7A, s1;
	s8 =	simm.s32 @!p0 $0x1BF5;
	p2 =	por !p2, p0  }
0x20: {  	[sflag:s8] =	ssyncset.s32 @!p0 $0xFFFFF086;
	s6 =	sadd.s32 @!p0 s3, s7;
	s7 =	simm.s32 @!p0 $0x108  }
0x21: {  	s3 =	sadd.s32 s3, s9;
	s6 =	sadd.s32 @!p0 $0x88, s6;
	s7 =	simm.s32 @p2 $0x1082  }
0x22: {  	[simem:s7], [sflag:s8] =	dma.local @!p0 [hbm:s6], $0xF7A  }
0x23: {  	s9 =	sor.u32 $0xD0000000, s2;
	s6 =	simm.s32 $0x108;
	_ =	swait.ge @!p0 [sflag:s8], $0x0  }
0x24: {  	s3 =	sadd.s32 $0x88, s3;
	s6 =	simm.s32 @!p1 $0x1082;
	[sflag:s4] =	ssyncset.s32 $0xFFFFF086  }
0x25: {  	[simem:s6], [sflag:s4] =	dma.local [hbm:s3], $0xF7A  }
0x26: {  	[smem:$0x3F9C] =	sst s1;
	(tag) =	ssettag s2;
	_ =	strace s9  }
0x27: {  	s1 =	sld [smem:$0x3FAC]  }
0x28: {  	s2 =	sld [smem:$0x3FAD]  }
0x29: {  	s4 =	sld [smem:$0x3FAF]  }
0x2a: {  	p0 =	seq.s32 s5, $0x0;
	s5 =	sld [smem:$0x3FB0]  }
0x2b: {  	s6 =	sld [smem:$0x3FB1]  }
0x2c: {  	s7 =	sld [smem:$0x3FB2]  }
0x2d: {  	s3 =	simm.s32 $0x108;
	s8 =	sld [smem:$0x3FB3]  }
0x2e: {  	s3 =	simm.s32 @!p0 $0x1082;
	s9 =	sld [smem:$0x3FB4]  }
0x2f: {  	lr =	sadd.s32 s0, s3;
	s0 =	sld [smem:$0x3FAB]  }
0x30: {  	s3 =	sld [smem:$0x3FAE]  }
0x31: {  	[smem:$0x3FB7] =	sst s10  }
0x32: {  	s10 =	sld [smem:$0x3FB5];
	_ =	sdelay $0x3  }
0x33: {  	p0 =	seq.s32 s10, $0x1;
	s10 =	sld [smem:$0x3FB7];
	_ =	sdelay $0x3  }
0x34: {  	[smem:$0x3FB7] =	sst s10  }
0x35: {  	s10 =	sld [smem:$0x3FB6];
	_ =	sdelay $0x3  }
0x36: {  	p1 =	seq.s32 s10, $0x1;
	s10 =	sld [smem:$0x3FB7];
	_ =	sdelay $0x3  }
0x37: {  	[smem:$0x3FB7] =	sst s10  }
0x38: {  	s10 =	sld [smem:$0x3FB8]  }
0x39: {  	_ = 	snop;
	(pc) =	sbr.ind lr, $3  }
0x3a: {  	_ = 	snop  }
0x3b: {  	_ = 	snop  }
0x3c: {  	p2 =	seq.s32 s10, $0x1;
	s10 =	sld [smem:$0x3FB7]  }
0x3d: {  	_ =	shalt  }
0x3e: {  	_ =	shalt  }
0x3f: {  	_ =	shalt  }
0x40: {  	_ =	shalt  }
0x41: {  	_ =	shalt  }
0x42: {  	_ =	shalt  }
0x43: {  	_ =	shalt  }
0x44: {  	_ =	shalt  }
0x45: {  	_ =	shalt  }
0x46: {  	_ =	shalt  }
0x47: {  	_ =	shalt  }
0x48: {  	_ =	shalt  }
0x49: {  	_ =	shalt  }
0x4a: {  	_ =	shalt  }
0x4b: {  	_ =	shalt  }
0x4c: {  	_ =	shalt  }
0x4d: {  	_ =	shalt  }
0x4e: {  	_ =	shalt  }
0x4f: {  	_ =	shalt  }
0x50: {  	_ =	shalt  }
0x51: {  	_ =	shalt  }
0x52: {  	_ =	shalt  }
0x53: {  	_ =	shalt  }
0x54: {  	_ =	shalt  }
0x55: {  	_ =	shalt  }
0x56: {  	_ =	shalt  }
0x57: {  	_ =	shalt  }
0x58: {  	_ =	shalt  }
0x59: {  	_ =	shalt  }
0x5a: {  	_ =	shalt  }
0x5b: {  	_ =	shalt  }
0x5c: {  	_ =	shalt  }
0x5d: {  	_ =	shalt  }
0x5e: {  	_ =	shalt  }
0x5f: {  	_ =	shalt  }
0x60: {  	_ =	shalt  }
0x61: {  	_ =	shalt  }
0x62: {  	_ =	shalt  }
0x63: {  	_ =	shalt  }
0x64: {  	_ =	shalt  }
0x65: {  	_ =	shalt  }
0x66: {  	_ =	shalt  }
0x67: {  	_ =	shalt  }
0x68: {  	_ =	shalt  }
0x69: {  	_ =	shalt  }
0x6a: {  	_ =	shalt  }
0x6b: {  	_ =	shalt  }
0x6c: {  	_ =	shalt  }
0x6d: {  	_ =	shalt  }
0x6e: {  	_ =	shalt  }
0x6f: {  	_ =	shalt  }
0x70: {  	_ =	shalt  }
0x71: {  	_ =	shalt  }
0x72: {  	_ =	shalt  }
0x73: {  	_ =	shalt  }
0x74: {  	_ =	shalt  }
0x75: {  	_ =	shalt  }
0x76: {  	_ =	shalt  }
0x77: {  	_ =	shalt  }
0x78: {  	_ =	shalt  }
0x79: {  	_ =	shalt  }
0x7a: {  	_ =	shalt  }
0x7b: {  	_ =	shalt  }
0x7c: {  	_ =	shalt  }
0x7d: {  	_ =	shalt  }
0x7e: {  	_ =	shalt  }
0x7f: {  	_ =	shalt  }
0x80: {  	_ =	shalt  }
0x81: {  	_ =	shalt  }
0x82: {  	_ =	shalt  }
0x83: {  	_ =	shalt  }
0x84: {  	_ =	shalt  }
0x85: {  	_ =	shalt  }
0x86: {  	_ =	shalt  }
0x87: {  	_ =	shalt  }
.Lfunc_end0:
.L_simem_size_0:
called_computation_lowered:
.L_overlay_start_0:
0x88: {  	s2 =	sld [smem:$0x3FD9]  }
0x89: {  	s3 =	sld [smem:$0x3FFE];
	_ =	sdelay $0x1  }
0x8a: {  	s1 =	srdreg.scid  }
0x8b: {  	s0 =	sand.u32 $0x1, s1  }
0x8c: {  	s17 =	sshll.u32 s0, $0xA;
	s2 =	sadd.s32 s3, s2  }
0x8d: {  	s2 =	sadd.s32 s2, s17  }
0x8e: {  	[smem:$0x3FC3] =	sst s2  }
0x8f: {  	_ = 	snop  }
0x90: {  	s2 =	sld [smem:$0x3FC9]  }
0x91: {  	s18 =	sld [smem:$0x3FC8]  }
0x92: {  	s4 =	sld [smem:$0x3FD0];
	(tm) =	ssettm $0x1  }
0x93: {  	s5 =	sld [smem:$0x3FFB];
	_ =	sdelay $0x3  }
0x94: {  	_ =	strace s5  }
0x95: {  	s5 =	sld [smem:$0x3FFC];
	_ =	sdelay $0x3  }
0x96: {  	_ =	strace s5  }
0x97: {  	s5 =	sld [smem:$0x3FFD];
	_ =	sdelay $0x3  }
0x98: {  	_ =	strace s5  }
0x99: {  	_ =	strace $0x8FFFFFFF  }
0x9a: {  	s19 =	sld [smem:$0x3FDB];
	_ =	sdelay $0x1  }
0x9b: {  	s6 =	simm.s32 $_scs_section_size  }
0x9c: {  	s7 =	simm.s32 $_size__tile_overlayer_lowered;
	s8 =	simm.s32 $_tile_overlayer_lowered  }
0x9d: {  	s22 =	simm.s32 $0x1BFF;
	s21 =	sshll.u32 s8, $0x1;
	s5 =	sadd.s32 s6, s19  }
0x9e: {  	s9 =	simm.s32 $0x0;
	s20 =	sshll.u32 s7, $0x1;
	s7 =	sadd.s32 s21, s5  }
0x9f: {  	[timem:s9], [sflag:s22] =	dma.local [hbm:s7], s20  }
0xa0: {  	_ =	swait.ge [sflag:s22], s20  }
0xa1: {  	s6 =	ssub.s32 $0x0, s20;
	[sflag:s22] =	ssyncset.done $0x0  }
0xa2: {  	[sflag:s22] =	ssyncadd.s32 s6;
	_ =	sdelay $0x1  }
0xa3: {  	s23 =	simm.s32 $0x1B8B  }
0xa4: {  	_ =	swait.ge [sflag:s23], $0x1  }
0xa5: {  	[sflag:s23] =	ssyncset.done $0x0  }
0xa6: {  	s25 =	simm.s32 $0x1B8E;
	s24 =	sld [smem:$0x3FFE];
	[sflag:s23] =	ssyncadd.s32 $0xFFFFFFFF  }
0xa7: {  	s26 =	simm.s32 $execute0_lowered;
	[smem:$0x3FD2] =	sst s25  }
0xa8: {  	s7 =	sshll.u32 s26, $0x1;
	_ =	strace $0x80000046;
	[dreg:$0x1] =	wrdreg $0xFFFFFFFF  }
0xa9: {  	s28 =	simm.s32 $_size_execute0_lowered;
	s5 =	sadd.s32 s5, s7;
	[dreg:$0x0] =	wrdreg $0x0  }
0xaa: {  	s7 =	sshll.u32 s28, $0x1;
	[dreg:$0x2] =	wrdreg s5  }
0xab: {  	[dreg:$0x3] =	wrdreg s7  }
0xac: {  	[dreg:$0x4] =	wrdreg $0xC0  }
0xad: {  	_ =	task [dreg:s9], $0x5FFFF  }
0xae: {  	[dreg:$0x1] =	wrdreg $0xFFFFFFFF  }
0xaf: {  	[dreg:$0x0] =	wrdreg $0x60  }
0xb0: {  	[dreg:$0x2] =	wrdreg s2  }
0xb1: {  	[dreg:$0x3] =	wrdreg s18  }
0xb2: {  	[dreg:$0x4] =	wrdreg s24  }
0xb3: {  	[dreg:$0x5] =	wrdreg s4  }
0xb4: {  	[dreg:$0x6] =	wrdreg $0xC9800  }
0xb5: {  	[dreg:$0x7] =	wrdreg $0x9  }
0xb6: {  	_ =	task.clear_ibuf [dreg:s9], $0x8FFFF;
	_ =	strace $0x90000046  }
0xb7: {  	s29 =	simm.s32 $0x9;
	_ =	strace $0x80000048  }
0xb8: {  	_ =	swait.ge [sflag:s29], $0x1  }
0xb9: {  	[sflag:s29] =	ssyncadd.s32 $0xFFFFFFFF  }
0xba: {  	_ =	strace $0x90000048  }
0xbb: {  	_ =	sfence  }
0xbc: {  	s30 =	sld [smem:$0x0];
	_ =	sdelay $0x2  }
0xbd: {  	s31 =	sshll.u32 s1, $0xD;
	s1 =	sshrl.u32 s1, $0x2  }
0xbe: {  	s3 =	sand.u32 $0x4000, s31;
	s1 =	sadd.s32 s1, s30  }
0xbf: {  	s0 =	sor.u32 s3, s0;
	s1 =	sshll.u32 s1, $0x11  }
0xc0: {  	s0 =	sor.u32 s1, s0  }
0xc1: {  	s0 =	sadd.s32 $0x8F2B, s0  }
0xc2: {  	[sflag:s0] =	ssyncadd.remote.s32 $0x1  }
0xc3: {  	_ =	sfence.sel $0xFFFF  }
0xc4: {  	[dreg:$0x0] =	wrdreg $0xFFFFFFFF;
	(pc) =	sbr.abs _section_cstart, $3  }
0xc5: {  	[dreg:$0x1] =	wrdreg $0xFFFFFFFF  }
0xc6: {  	_ =	task.clear_ibuf [dreg:s9], $0x2FFFF;
	_ =	strace $0x9FFFFFFF  }
0xc7: {  	(tm) =	ssettm $0x7FFFFFFF  }
tec
execute0_lowered:
.L_overlay_start_1:
0x0: {  	(tag) =	ssettag $0x1  }
0x1: {  	s0 =	rddreg [dreg:$0x0]  }
0x2: {  	s2 =	rddreg [dreg:$0x1]  }
0x3: {  	s8 =	rddreg [dreg:$0x2]  }
0x4: {  	s9 =	rddreg [dreg:$0x3]  }
0x5: {  	s1 =	rddreg [dreg:$0x4];
	s3 =	simm.s32 $0x0  }
0x6: {  	s4 =	srdreg.scid;
	s13 =	stileid.u32;
	s18 =	simm.s32 $0x9  }
0x7: {  	s19 =	simm.s32 $0xA;
	s20 =	simm.s32 $0x80;
	s14 =	simm.s32 $0xC900  }
0x8: {  	s21 =	simm.s32 $0xB;
	s22 =	simm.s32 $0x0;
	[smem:$0x7FF] =	sst s3  }
0x9: {  	s4 =	sand.u32 $0x1, s4;
	s5 =	sshll.u32 s13, $0xD;
	s7 =	sshll.u32 s13, $0x1  }
0xa: {  	s31 =	sshll.u32 s13, $0x10;
	s12 =	sadd.s32 $0xF0000, s1;
	p0 =	seq.s32 s13, $0xF  }
0xb: {  	_ =	strace $0x80000047;
	s6 =	ssub.s32 $0x2, s4;
	s10 =	sadd.s32 s5, s8  }
0xc: {  	s7 =	sor.u32 s4, s7;
	s4 =	sadd.s32 $0x1F000, s8;
	s8 =	sadd.s32 $0x1E600, s8  }
0xd: {  	s15 =	sshrl.u32 @p0 s12, $0x3;
	s12 =	simm.s32 $0x380;
	s28 =	sshrl.u32 s6, $0x1  }
0xe: {  	s29 =	sshll.u32 s7, $0x7;
	s30 =	sshll.u32 s7, $0x4;
	s7 =	sadd.s32 $0x600, s10  }
0xf: {  	s11 =	ssub.s32 s6, s28;
	s5 =	sadd.s32 s0, s29;
	s6 =	sadd.s32 s2, s30  }
0x10: {  	s2 =	sadd.s32 s31, s1;
	s9 =	sadd.s32 s9, s30;
	s0 =	sshll.u32 @!p0 s13, $0x6  }
0x11: {  	s13 =	simm.s32 $0x6780;
	s10 =	smax.u32 s11, $0x1;
	s11 =	simm.s32 $0x400  }
0x12: {  	s16 =	sor.u32 @!p0 $0x1C0B, s0;
	s17 =	sshrl.u32 @!p0 s2, $0x3;
	s2 =	simm.s32 $0x6700  }
.LBB2_1:
0x13: {  	s0 =	simm.s32 $0x8000  }
0x14: {  	[tilespmem:s3], [sflag:$0x9] =	stream.strided.gather [hbm4b:s5+s11], $0x6400, s0, s11, $0x38;
	[tilespmem:$0x1BDC0] =	vst v63  }
0x15: {  	s24 =	simm.s32 $0xC800  }
0x16: {  	[tilespmem:s24], [sflag:$0xA] =	stream.linear.gather [hbm4b:s6+s3], $0x80, $0x38;
	[tilespmem:$0x1BDC0] =	vst v63  }
0x17: {  	s25 =	simm.s32 $0xC880;
	s23 =	simm.s32 @p0 $0x1FCB  }
0x18: {  	[tilespmem:s25], [sflag:$0xA] =	stream.linear.gather [hbm4b:s4+s3], $0x80, $0x38;
	[tilespmem:$0x1BDC0] =	vst v63  }
0x19: {  	[spmem:s15], [sflag:s23] =	dma.local @p0 [hbm:s8], $0x880  }
0x1a: {  	s23 =	simm.s32 @p0 $0xB  }
0x1b: {  	_ =	swait.ge @p0 [sflag:s23], $0x880  }
0x1c: {  	[sflag:s23] =	ssyncset.done @p0 $0x0  }
0x1d: {  	[sflag:s23] =	ssyncadd.s32 @p0 $0xFFFFF780;
	s23 =	simm.s32 @!p0 $0xB  }
0x1e: {  	[spmem:s17], [sflag:s16] =	dma.local @!p0 [hbm:s7], $0x2000  }
0x1f: {  	_ =	swait.ge @!p0 [sflag:s23], $0x2000  }
0x20: {  	[sflag:s23] =	ssyncset.done @!p0 $0x0  }
0x21: {  	[sflag:s23] =	ssyncadd.s32 @!p0 $0xFFFFE000  }
0x22: {  	_ =	swait.ge [sflag:s18], $0x6400  }
0x23: {  	[sflag:s18] =	ssyncset.done $0x0  }
0x24: {  	[sflag:s18] =	ssyncadd.s32 $0xFFFF9C00  }
0x25: {  	[bflag:$0x0] =	sbarrier.arrive $0xFFFF  }
0x26: {  	_ =	swait.ge [sflag:s19], $0x80  }
0x27: {  	[sflag:s19] =	ssyncset.done $0x0  }
0x28: {  	[sflag:s19] =	ssyncadd.s32 $0xFFFFFF80  }
0x29: {  	_ =	swait.ge [sflag:s19], $0x80  }
0x2a: {  	[sflag:s19] =	ssyncset.done $0x0  }
0x2b: {  	[sflag:s19] =	ssyncadd.s32 $0xFFFFFF80  }
0x2c: {  	v3 =	vld [tilespmem:$0xC800]  }
0x2d: {  	v2 =	vld [tilespmem:$0xC810]  }
0x2e: {  	v1 =	vld [tilespmem:$0xC820]  }
0x2f: {  	v7 =	vld [tilespmem:$0xC830]  }
0x30: {  	v0 =	vld [tilespmem:$0xC840]  }
0x31: {  	v4 =	vld [tilespmem:$0xC850]  }
0x32: {  	s26 =	simm.s32 $0x6400;
	v6 =	vld [tilespmem:$0xC860]  }
0x33: {  	v5 =	vld [tilespmem:$0xC870];
	[tilespmem:s26], [sflag:$0x1] =	stream.indirect.gather [spmem:s1], $0x1, s3, s20, $0xb8  }
0x34: {  	s29 =	simm.s32 $0x6480  }
0x35: {  	[tilespmem:s29], [sflag:$0x2] =	stream.indirect.gather [spmem:s1], $0x1, s20, s20, $0xb8;
	[tilespmem:$0x1BDC0] =	vst v63  }
0x36: {  	s30 =	simm.s32 $0x100;
	s31 =	simm.s32 $0x6500  }
0x37: {  	[tilespmem:s31], [sflag:$0x3] =	stream.indirect.gather [spmem:s1], $0x1, s30, s20, $0xb8;
	[tilespmem:$0x1BDC0] =	vst v63  }
0x38: {  	s24 =	simm.s32 $0x6580;
	s23 =	simm.s32 $0x180  }
0x39: {  	[tilespmem:s24], [sflag:$0x4] =	stream.indirect.gather [spmem:s1], $0x1, s23, s20, $0xb8;
	[tilespmem:$0x1BDC0] =	vst v63  }
0x3a: {  	s25 =	simm.s32 $0x200;
	s26 =	simm.s32 $0x6600  }
0x3b: {  	[tilespmem:s26], [sflag:$0x5] =	stream.indirect.gather [spmem:s1], $0x1, s25, s20, $0xb8;
	[tilespmem:$0x1BDC0] =	vst v63  }
0x3c: {  	p1 =	por $0x0, $0x0;
	s29 =	simm.s32 $0x280;
	s30 =	simm.s32 $0x6680  }
0x3d: {  	[tilespmem:s30], [sflag:$0x6] =	stream.indirect.gather [spmem:s1], $0x1, s29, s20, $0xb8;
	[tilespmem:$0x1BDC0] =	vst v63  }
0x3e: {  	p1 =	por p1, p1;
	s31 =	simm.s32 $0x300;
	s23 =	sand.u32 $0x7, s3  }
0x3f: {  	[tilespmem:s2], [sflag:$0x7] =	stream.indirect.gather [spmem:s1], $0x1, s31, s20, $0xb8;
	[tilespmem:$0x1BDC0] =	vst v63  }
0x40: {  	s24 =	sadd.s32 @!p1 $0x1, s23  }
0x41: {  	[tilespmem:s13], [sflag:$0x8] =	stream.indirect.gather [spmem:s1], $0x1, s12, s20, $0xb8;
	[tilespmem:$0x1BDC0] =	vst v63  }
0x42: {  	s23 =	sadd.s32 $0x1, s23;
	s25 =	simm.s32 $0x6800;
	s26 =	simm.s32 @!p1 $0x80  }
0x43: {  	[tilespmem:s25], [sflag:s24] =	stream.indirect.gather @!p1 [spmem:s1], $0x1, s11, s26, $0xb8;
	[tilespmem:$0x1BDC0] =	vst v63  }
0x44: {  	_ =	swait.ge [sflag:s23], $0x80  }
0x45: {  	[sflag:s23] =	ssyncset.done $0x0  }
0x46: {  	[sflag:s23] =	ssyncadd.s32 $0xFFFFFF80  }
0x47: {  	v8 =	vld [tilespmem:s25+$0xFFFFFC70]  }
0x48: {  	v13 =	vmov s3;
	v21 =	vld [tilespmem:s25+$0xFFFFFC30]  }
0x49: {  	v14 =	vimm.f32 $0.0e+00;
	v16 =	vimm.f32 $0.0e+00;
	v15 =	vimm.f32 $0.0e+00;
	v20 =	vld [tilespmem:s25+$0xFFFFFC60]  }
0x4a: {  	v12 =	vimm.f32 $0.0e+00;
	v11 =	vimm.f32 $0.0e+00;
	v10 =	vimm.f32 $0.0e+00;
	v18 =	vld [tilespmem:s25+$0xFFFFFC50]  }
0x4b: {  	p6 =	por $0x0, $0x0;
	s28 =	simm.s32 $0x2;
	v9 =	vimm.f32 $0.0e+00;
	vm2 =	vlt.s32 v13, v5;
	vm1 =	vlt.s32 v13, v7;
	s24 =	simm.s32 $0x1;
	v19 =	vld [tilespmem:s25+$0xFFFFFC40]  }
0x4c: {  	vm0 =	vlt.s32 v13, v6;
	p1 =	por p6, p6;
	s26 =	simm.s32 $0x480;
	s23 =	simm.s32 $0x6880;
	v17 =	vld [tilespmem:s25+$0xFFFFFC20];
	v22 =	vnsel vm2, $0x0, v8;
	v8 =	vimm.f32 $0.0e+00  }
.LBB2_2:
0x4d: {  	p3 =	sgt.u32 s28, $0xBF  }
0x4e: {  	s29 =	sand.u32 $0x7, s24;
	v23 =	vld [tilespmem:s25+$0xFFFFFC10];
	v21 =	vnsel vm1, $0x0, v21;
	v14 =	vadd.f32 v22, v14;
	s30 =	smov.u32 s28;
	s28 =	sadd.s32 $0x1, s28  }
0x4f: {  	s0 =	simm.s32 @!p1 $0x80;
	vm1 =	vlt.s32 v13, v4;
	s31 =	sadd.s32 @!p1 $0x1, s29;
	s29 =	sadd.s32 $0x1, s29;
	v22 =	vld [tilespmem:s25+$0xFFFFFC00];
	v16 =	vadd.f32 v21, v16;
	v20 =	vnsel vm0, $0x0, v20  }
0x50: {  	vm0 =	vlt.s32 v13, v0;
	[tilespmem:s23], [sflag:s31] =	stream.indirect.gather @!p1 [spmem:s1], $0x1, s26, s0, $0xb8;
	v18 =	vnsel vm1, $0x0, v18;
	v15 =	vadd.f32 v20, v15;
	[tilespmem:$0x1BDC0] =	vst v63  }
0x51: {  	p2 =	sne.s32 s28, $0xC8;
	s25 =	smov.u32 s23;
	vm1 =	vlt.s32 v13, v1;
	_ =	swait.ge [sflag:s29], $0x80;
	v19 =	vnsel vm0, $0x0, v19;
	v12 =	vadd.f32 v18, v12  }
0x52: {  	vm2 =	vlt.s32 v13, v2;
	p1 =	por p3, p3;
	vm0 =	vlt.s32 v13, v3;
	[sflag:s29] =	ssyncset.done $0x0;
	v13 =	vnsel vm1, $0x0, v17  }
0x53: {  	v11 =	vadd.f32 v19, v11;
	[sflag:s29] =	ssyncadd.s32 $0xFFFFFF80;
	v17 =	vnsel vm2, $0x0, v23;
	v8 =	vadd.f32 v13, v8  }
0x54: {  	v23 =	vld [tilespmem:s23+$0xFFFFFC70];
	v13 =	vnsel vm0, $0x0, v22;
	v10 =	vadd.f32 v17, v10  }
.Ltmp0:
0x55: {  	v21 =	vld [tilespmem:s23+$0xFFFFFC30];
	v9 =	vadd.f32 v13, v9;
	(pc) =	sbr.rel @p2 .LBB2_2-.Ltmp0, $4  }
0x56: {  	v20 =	vld [tilespmem:s23+$0xFFFFFC60]  }
0x57: {  	v13 =	vmov s24;
	s24 =	smov.u32 s30;
	v18 =	vld [tilespmem:s23+$0xFFFFFC50]  }
0x58: {  	vm2 =	vlt.s32 v13, v5;
	v19 =	vld [tilespmem:s23+$0xFFFFFC40]  }
0x59: {  	s26 =	sadd.s32 $0x80, s26;
	vm1 =	vlt.s32 v13, v7;
	vm0 =	vlt.s32 v13, v6;
	s23 =	sadd.s32 $0x80, s23;
	v17 =	vld [tilespmem:s25+$0xFFFFFC20];
	v22 =	vnsel vm2, $0x0, v23  }
0x5a: {  	v21 =	vnsel vm1, $0x0, v21;
	v14 =	vadd.f32 v22, v14  }
0x5b: {  	s0 =	sand.u32 $0x7, s24;
	vm4 =	vlt.s32 v13, v4;
	vm5 =	vlt.s32 v13, v0;
	vm6 =	vlt.s32 v13, v1  }
0x5c: {  	v23 =	vld [tilespmem:s25+$0xFFFFFC10];
	s29 =	simm.s32 @!p1 $0x80;
	vm7 =	vlt.s32 v13, v3;
	v25 =	vcvt.s32.f32 v3;
	v28 =	vcvt.s32.f32 v2;
	s28 =	sadd.s32 @!p1 $0x1, s0;
	s0 =	sadd.s32 $0x1, s0  }
0x5d: {  	v60 =	vld [tilespmem:s25+$0xFFFFFC00];
	vm2 =	vlt.s32 v13, v2;
	v29 =	vcvt.s32.f32 v1;
	v31 =	vcvt.s32.f32 v7;
	[tilespmem:s23], [sflag:s28] =	stream.indirect.gather @!p1 [spmem:s1], $0x1, s26, s29, $0xb8  }
0x5e: {  	v27 =	vmov s24;
	v33 =	vcvt.s32.f32 v0;
	v35 =	vcvt.s32.f32 v4;
	_ =	swait.ge [sflag:s0], $0x80  }
0x5f: {  	v37 =	vcvt.s32.f32 v6;
	v39 =	vcvt.s32.f32 v5;
	v16 =	vadd.f32 v21, v16;
	[sflag:s0] =	ssyncset.done $0x0  }
0x60: {  	v20 =	vnsel vm0, $0x0, v20;
	vm8 =	vlt.s32 v27, v5;
	vm9 =	vlt.s32 v27, v7;
	[sflag:s0] =	ssyncadd.s32 $0xFFFFFF80  }
0x61: {  	vm10 =	vlt.s32 v27, v6;
	vm11 =	vlt.s32 v27, v4;
	vm12 =	vlt.s32 v27, v3;
	v63 =	vld [tilespmem:s23+$0xFFFFFC70]  }
0x62: {  	vm13 =	vlt.s32 v27, v2;
	vm14 =	vlt.s32 v27, v1;
	(erf) = vrcp.f32 v25;
	v26 =	vld [tilespmem:s23+$0xFFFFFC30]  }
0x63: {  	vm15 =	vlt.s32 v27, v0;
	v18 =	vnsel vm4, $0x0, v18;
	(erf) = vrcp.f32 v28;
	v30 =	vld [tilespmem:s23+$0xFFFFFC60]  }
0x64: {  	v15 =	vadd.f32 v20, v15;
	v19 =	vnsel vm5, $0x0, v19;
	v32 =	vld [tilespmem:s23+$0xFFFFFC00];
	(erf) = vrcp.f32 v29  }
0x65: {  	v12 =	vadd.f32 v18, v12;
	v61 =	vnsel vm6, $0x0, v17;
	v34 =	vld [tilespmem:s23+$0xFFFFFC10];
	(erf) = vrcp.f32 v31  }
0x66: {  	v11 =	vadd.f32 v19, v11;
	v62 =	vnsel vm2, $0x0, v23;
	v36 =	vld [tilespmem:s23+$0xFFFFFC20];
	(erf) = vrcp.f32 v33  }
0x67: {  	v8 =	vadd.f32 v61, v8;
	v24 =	vnsel vm7, $0x0, v60;
	v38 =	vld [tilespmem:s23+$0xFFFFFC50];
	(erf) = vrcp.f32 v35  }
0x68: {  	v10 =	vadd.f32 v62, v10;
	v9 =	vadd.f32 v24, v9;
	v40 =	vld [tilespmem:s23+$0xFFFFFC40];
	(erf) = vrcp.f32 v37  }
0x69: {  	v41 =	vld [tilespmem:$0xC880];
	v13 =	vnsel vm8, $0x0, v63;
	v3 =	vnsel vm12, $0x0, v32;
	(erf) = vrcp.f32 v39  }
0x6a: {  	v19 =	vnsel vm9, $0x0, v26;
	v42 =	vnsel vm13, $0x0, v34;
	v43 =	vadd.f32 v3, v9  }
0x6b: {  	v45 =	vnsel vm10, $0x0, v30;
	v46 =	vnsel vm14, $0x0, v36;
	v4 =	vadd.f32 v42, v10;
	v44 =	vpop (erf)  }
0x6c: {  	v50 =	vnsel vm11, $0x0, v38;
	v48 =	vadd.f32 v46, v8;
	v47 =	vpop (erf);
	v1 =	vmul.f32 v43, v44  }
0x6d: {  	v7 =	vnsel vm15, $0x0, v40;
	v16 =	vadd.f32 v19, v16;
	v49 =	vpop (erf);
	v4 =	vmul.f32 v4, v47  }
0x6e: {  	v7 =	vadd.f32 v7, v11;
	v51 =	vpop (erf);
	v1 =	vadd.f32 v41, v1;
	v0 =	vmul.f32 v48, v49  }
0x6f: {  	v6 =	vadd.f32 v50, v12;
	v52 =	vpop (erf);
	v4 =	vadd.f32 v41, v4;
	v8 =	vmul.f32 v16, v51  }
0x70: {  	v5 =	vadd.f32 v45, v15;
	v53 =	vpop (erf);
	[tilespmem:$0xC900] =	vst v1;
	v0 =	vadd.f32 v41, v0;
	v54 =	vmul.f32 v7, v52  }
0x71: {  	v56 =	vadd.f32 v13, v14;
	v55 =	vpop (erf);
	[tilespmem:$0xC910] =	vst v4;
	v57 =	vadd.f32 v41, v8;
	v6 =	vmul.f32 v6, v53  }
0x72: {  	[tilespmem:$0xC920] =	vst v0;
	v58 =	vadd.f32 v41, v54;
	v59 =	vmul.f32 v5, v55;
	v60 =	vpop (erf)  }
0x73: {  	[tilespmem:$0xC930] =	vst v57;
	v61 =	vadd.f32 v41, v6;
	v3 =	vmul.f32 v56, v60  }
0x74: {  	[tilespmem:$0xC940] =	vst v58;
	v62 =	vadd.f32 v41, v59  }
0x75: {  	s22 =	sadd.s32 $0x1, s22;
	[tilespmem:$0xC950] =	vst v61;
	v63 =	vadd.f32 v41, v3  }
0x76: {  	p1 =	sne.s32 s22, s10;
	[tilespmem:$0xC960] =	vst v62  }
.Ltmp1:
0x77: {  	[tilespmem:$0xC970] =	vst v63;
	(pc) =	sbr.rel @p1 .LBB2_1-.Ltmp1, $4  }
0x78: {  	[hbm4b:s9+s3] =	stream.linear.scatter [tilespmem:s14], [sflag:$0xB], $0x80, $0x38;
	[tilespmem:$0x1BDC0] =	vst v63  }
0x79: {  	_ =	swait.ge [sflag:s21], $0x80  }
0x7a: {  	[sflag:s21] =	ssyncset.done $0x0  }
0x7b: {  	[sflag:s21] =	ssyncadd.s32 $0xFFFFFF80  }
0x7c: {  	_ =	sfence.sel $0x180000  }
0x7d: {  	[bflag:$0x0] =	sbarrier.arrive $0xFFFF  }
0x7e: {  	_ =	strace $0x90000047  }
0x7f: {  	s0 =	stileid.u32;
	[bflag:$0x2] =	sbarrier.arrive $0xFFFF  }
0x80: {  	p0 =	sne.s32 s0, $0x0;
	s0 =	rddreg [dreg:$0x5]  }
0x81: {  	s0 =	sadd.s32 @!p0 $0x100000, s0  }
0x82: {  	[sflag:s0] =	ssyncadd.tile.s32 @!p0 $0x1;
	_ =	shalt  }
.Lfunc_end2:
_tile_overlayer_lowered:
.L_overlay_start_2:
0x83: {  	(tag) =	ssettag $0x2  }
0x84: {  	s0 =	rddreg [dreg:$0x0];
	s2 =	stileid.u32  }
0x85: {  	s1 =	rddreg [dreg:$0x1];
	p0 =	sne.s32 s2, $0x0  }
0x86: {  	s3 =	rddreg [dreg:$0x2];
	[bflag:$0x3] =	sbarrier.arrive $0xFFFF;
	s2 =	simm.s32 @!p0 $0x1C0B  }
0x87: {  	[timem:s3], [sflag:s2] =	dma.local @!p0 [hbm:s0], s1  }
0x88: {  	s0 =	simm.s32 @!p0 $0xB  }
0x89: {  	_ =	swait.ge @!p0 [sflag:s0], s1  }
0x8a: {  	s1 =	ssub.s32 @!p0 $0x0, s1;
	[sflag:s0] =	ssyncset.done @!p0 $0x0  }
0x8b: {  	[sflag:s0] =	ssyncadd.s32 @!p0 s1  }
0x8c: {  	[bflag:$0x3] =	sbarrier.arrive $0xFFFF  }
0x8d: {  	_ =	shalt  }

</sc_bundles>
